<compile_context>
chip_gen: v7x
topology: tpu7x:2x2x1
jax: 0.10.2.dev20260603
libtpu: 0.0.44.dev20260713+nightly
codegen_flags: <defaults>
</compile_context>

<pallas_src>
import functools

import jax
import jax.numpy as jnp
import numpy as np
from jax.experimental import pallas as pl
from jax.experimental.pallas import tpu as pltpu
from jax.experimental.pallas import tpu_sc as plsc

_N = 5000
_T = 512
_NPAD = 5120
_NT = _NPAD // _T
_W = 1024
_NC = _NPAD // _W
_THR = float(np.float32(0.7))
_EPS = float(np.float32(1e-8))


def _overlap(ax1, ay1, ax2, ay2, aarea, bx1, by1, bx2, by2, barea):
    ix1 = jnp.maximum(ax1, bx1)
    iy1 = jnp.maximum(ay1, by1)
    ix2 = jnp.minimum(ax2, bx2)
    iy2 = jnp.minimum(ay2, by2)
    iw = jnp.maximum(ix2 - ix1, jnp.float32(0.0))
    ih = jnp.maximum(iy2 - iy1, jnp.float32(0.0))
    inter = iw * ih
    union = (aarea + barea) - inter
    iou = inter / (union + jnp.float32(_EPS))
    return iou > jnp.float32(_THR)


def _nms_body(cols_ref, rows_ref, keep_ref):
    keep_ref[...] = jnp.ones((1, _NPAD), jnp.float32)

    def tile_step(j, carry):
        off = j * _T
        tx1 = rows_ref[pl.ds(off, _T), 0:1]
        ty1 = rows_ref[pl.ds(off, _T), 1:2]
        tx2 = rows_ref[pl.ds(off, _T), 2:3]
        ty2 = rows_ref[pl.ds(off, _T), 3:4]
        tar = rows_ref[pl.ds(off, _T), 4:5]
        sx1 = cols_ref[0:1, pl.ds(off, _T)]
        sy1 = cols_ref[1:2, pl.ds(off, _T)]
        sx2 = cols_ref[2:3, pl.ds(off, _T)]
        sy2 = cols_ref[3:4, pl.ds(off, _T)]
        sar = cols_ref[4:5, pl.ds(off, _T)]

        over = _overlap(tx1, ty1, tx2, ty2, tar, sx1, sy1, sx2, sy2, sar)
        ra = jax.lax.broadcasted_iota(jnp.int32, (_T, _T), 0)
        rb = jax.lax.broadcasted_iota(jnp.int32, (_T, _T), 1)
        sf = jnp.where(over & (ra < rb), jnp.float32(1.0), jnp.float32(0.0))

        alive0 = keep_ref[0:1, pl.ds(off, _T)]

        def fp_cond(c):
            return c[1]

        def fp_body(c):
            cum, _ = c
            s1 = jnp.dot(cum, sf, preferred_element_type=jnp.float32)
            cso = jnp.where(s1 == 0, cum, jnp.float32(0.0))
            s2 = jnp.dot(cso, sf, preferred_element_type=jnp.float32)
            nxt = jnp.where(s2 == 0, cum, jnp.float32(0.0))
            return nxt, jnp.any(nxt != cum)

        cum, _ = jax.lax.while_loop(
            fp_cond, fp_body, (alive0, jnp.bool_(True)))
        keep_ref[0:1, pl.ds(off, _T)] = cum

        def chunk_step(k, c2):
            cb = k * _W
            bx1 = cols_ref[0:1, pl.ds(cb, _W)]
            by1 = cols_ref[1:2, pl.ds(cb, _W)]
            bx2 = cols_ref[2:3, pl.ds(cb, _W)]
            by2 = cols_ref[3:4, pl.ds(cb, _W)]
            bar = cols_ref[4:5, pl.ds(cb, _W)]
            oc = _overlap(tx1, ty1, tx2, ty2, tar, bx1, by1, bx2, by2, bar)
            scf = jnp.where(oc, jnp.float32(1.0), jnp.float32(0.0))
            hits = jnp.dot(cum, scf, preferred_element_type=jnp.float32)
            colid = cb + jax.lax.broadcasted_iota(jnp.int32, (1, _W), 1)
            kill = (hits > 0) & (colid >= off + _T)
            cur = keep_ref[0:1, pl.ds(cb, _W)]
            keep_ref[0:1, pl.ds(cb, _W)] = jnp.where(
                kill, jnp.float32(0.0), cur)
            return c2

        kmin = (off + _T) // _W
        jax.lax.fori_loop(kmin, _NC, chunk_step, 0)
        return carry

    jax.lax.fori_loop(0, _NT, tile_step, 0)
    keep_ref[...] = keep_ref[...] * cols_ref[5:6, :]


def _run_nms(cols, rows, interpret=False):
    return pl.pallas_call(
        _nms_body,
        out_shape=jax.ShapeDtypeStruct((1, _NPAD), jnp.float32),
        interpret=interpret,
    )(cols, rows)


_NW = 32
_SPLIT = 2
_EPW = _NPAD // (_NW * _SPLIT)


def _sc_scatter_body(vals_hbm, idx_hbm, out_hbm, idx_v, vals_v, sem):
    wid = jax.lax.axis_index("s") * 2 + jax.lax.axis_index("c")
    for b in range(_SPLIT):
        pltpu.sync_copy(idx_hbm.at[wid, b], idx_v)
        pltpu.sync_copy(vals_hbm.at[wid, b], vals_v)
        pltpu.async_copy(vals_v, out_hbm.at[idx_v], sem).wait()


_sc_scatter = functools.partial(
    pl.kernel,
    out_type=jax.ShapeDtypeStruct((_NPAD,), jnp.float32),
    mesh=plsc.VectorSubcoreMesh(
        core_axis_name="c", subcore_axis_name="s",
        num_cores=2, num_subcores=16),
    scratch_types=[
        pltpu.VMEM((_EPW,), jnp.int32),
        pltpu.VMEM((_EPW,), jnp.float32),
        pltpu.SemaphoreType.DMA,
    ],
)(_sc_scatter_body)


def kernel(boxes, scores):
    n = boxes.shape[0]
    idx = jnp.arange(n, dtype=jnp.int32)
    _, sx1, sy1, sx2, sy2, ssc, sidx = jax.lax.sort(
        (-scores, boxes[:, 0], boxes[:, 1], boxes[:, 2], boxes[:, 3],
         scores, idx),
        num_keys=1, is_stable=True)
    area = jnp.maximum(sx2 - sx1, 0.0) * jnp.maximum(sy2 - sy1, 0.0)
    feats = jnp.stack([sx1, sy1, sx2, sy2, area, ssc], axis=0)
    cols = jnp.zeros((8, _NPAD), jnp.float32).at[:6, :n].set(feats)
    rows = cols.T
    masked_full = _run_nms(cols, rows)[0]
    idx_pad = jnp.concatenate(
        [sidx, jnp.arange(n, _NPAD, dtype=jnp.int32)])
    out_full = _sc_scatter(
        masked_full.reshape(_NW, _SPLIT, _EPW),
        idx_pad.reshape(_NW, _SPLIT, _EPW))
    return out_full[:n]

# --- scband reference (transcript-rebuilt; emitter-appended) ---
"""Pipeline reference for scband-classifier-8280696946823 (READ-ONLY COPY).

The authoritative reference and input builder live on the scoring server;
editing this copy changes nothing except your own understanding.
"""

import jax, jax.numpy as jnp
import numpy as np

N = 5000
IOU_THRESHOLD = 0.7


def _pairwise_iou(b):
    # b: [N, 4] as (x1, y1, x2, y2)
    x1, y1, x2, y2 = b[:, 0], b[:, 1], b[:, 2], b[:, 3]
    area = jnp.maximum(x2 - x1, 0.0) * jnp.maximum(y2 - y1, 0.0)
    ix1 = jnp.maximum(x1[:, None], x1[None, :])
    iy1 = jnp.maximum(y1[:, None], y1[None, :])
    ix2 = jnp.minimum(x2[:, None], x2[None, :])
    iy2 = jnp.minimum(y2[:, None], y2[None, :])
    iw = jnp.maximum(ix2 - ix1, 0.0)
    ih = jnp.maximum(iy2 - iy1, 0.0)
    inter = iw * ih
    union = area[:, None] + area[None, :] - inter
    return inter / (union + 1e-8)


def setup_inputs(seed: int = 0) -> dict:
    key = jax.random.key(seed)
    k1, k2, k3 = jax.random.split(key, 3)
    xy = jax.random.uniform(k1, (N, 2), dtype=jnp.float32) * 448.0
    wh = jax.random.uniform(k2, (N, 2), dtype=jnp.float32) * 64.0 + 1.0
    boxes = jnp.concatenate([xy, xy + wh], axis=1)  # valid (x1,y1,x2,y2)
    scores = jax.random.uniform(k3, (N,), dtype=jnp.float32)
    return {"boxes": boxes, "scores": scores}


def reference(boxes, scores):
    # Greedy hard-NMS (same semantics as torchvision.ops.nms / mrcnn proposal NMS):
    # sort by score desc, suppress any lower-scored box with IoU > threshold
    # against a kept box. Returns scores masked by the keep decision (float[N]).
    n = boxes.shape[0]
    order = jnp.argsort(-scores)
    b_sorted = boxes[order]
    iou = jax.lax.stop_gradient(_pairwise_iou(b_sorted))
    idxs = jnp.arange(n)

    def body(i, keep):
        row = iou[i]
        suppress = (row > IOU_THRESHOLD) & (idxs > i) & keep[i]
        return keep & (~suppress)

    keep_sorted = jax.lax.fori_loop(0, n, body, jnp.ones((n,), dtype=bool))
    keep = jnp.zeros((n,), dtype=bool).at[order].set(keep_sorted)
    return scores * keep.astype(scores.dtype)

if __name__ == "__main__":
    import jax
    _d = setup_inputs()
    print(jax.jit(kernel)(*tuple(_d.values())))

</pallas_src>

<mosaic_0001>
#map = affine_map<(d0, d1) -> (0, 0, 0)>
#map1 = affine_map<(d0, d1) -> (0)>
module attributes {stable_mosaic.version = 14 : i64} {
  func.func @_sc_scatter_body(%arg0: i32, %arg1: i32, %arg2: memref<32x2x80xf32, #tpu.memory_space<hbm>>, %arg3: memref<32x2x80xi32, #tpu.memory_space<hbm>>, %arg4: memref<5120xf32, #tpu.memory_space<hbm>>, %arg5: memref<80xi32, #tpu.memory_space<vmem>>, %arg6: memref<80xf32, #tpu.memory_space<vmem>>, %arg7: memref<!tpu.dma_semaphore, #tpu.memory_space<semaphore_mem>>) attributes {dimension_semantics = [#tpu.dimension_semantics<core_parallel>, #tpu.dimension_semantics<subcore_parallel>], iteration_bounds = array<i64: 2, 16>, scalar_prefetch = 0 : i64, scratch_operands = 3 : i64, tpu.core_type = #tpu.core_type<sc_vector_subcore>, window_params = [{transform_indices = #map}, {transform_indices = #map}, {transform_indices = #map1}]} {
    %mul3A = arith.constant 2 : i32
    %mul3A_0 = arith.muli %arg1, %mul3A : i32
    %add3A = arith.addi %mul3A_0, %arg0 : i32
    %run_scoped3A = arith.constant 0 : i32
    "tpu.region"() ({
      %run_scoped3A_10 = tpu.sem_alloc : memref<!tpu.dma_semaphore, #tpu.memory_space<semaphore_mem>>
      %dma_start3A_11 = arith.constant 0 : i32
      %dma_start3A_12 = tpu.memref_slice %arg3[%add3A, %run_scoped3A, %dma_start3A_11] : memref<32x2x80xi32, #tpu.memory_space<hbm>> -> memref<1x1x80xi32, #tpu.memory_space<hbm>>
      %dma_start3A_13 = tpu.memref_squeeze %dma_start3A_12 : memref<1x1x80xi32, #tpu.memory_space<hbm>> -> memref<80xi32, #tpu.memory_space<hbm>>
      %dma_start3A_14 = arith.constant 0 : i32
      %dma_start3A_15 = tpu.memref_slice %arg3[%add3A, %run_scoped3A, %dma_start3A_14] : memref<32x2x80xi32, #tpu.memory_space<hbm>> -> memref<1x1x80xi32, #tpu.memory_space<hbm>>
      %dma_start3A_16 = tpu.memref_squeeze %dma_start3A_15 : memref<1x1x80xi32, #tpu.memory_space<hbm>> -> memref<80xi32, #tpu.memory_space<hbm>>
      tpu.enqueue_dma source(%dma_start3A_16 : memref<80xi32, #tpu.memory_space<hbm>>) target(%arg5 : memref<80xi32, #tpu.memory_space<vmem>>) target_semaphore(%run_scoped3A_10 : memref<!tpu.dma_semaphore, #tpu.memory_space<semaphore_mem>>)
      %dma_wait3A_17 = arith.constant 0 : i32
      %dma_wait3A_18 = tpu.memref_slice %arg3[%add3A, %run_scoped3A, %dma_wait3A_17] : memref<32x2x80xi32, #tpu.memory_space<hbm>> -> memref<1x1x80xi32, #tpu.memory_space<hbm>>
      %dma_wait3A_19 = tpu.memref_squeeze %dma_wait3A_18 : memref<1x1x80xi32, #tpu.memory_space<hbm>> -> memref<80xi32, #tpu.memory_space<hbm>>
      %dma_wait3A_20 = arith.constant 0 : i32
      %dma_wait3A_21 = tpu.memref_slice %arg3[%add3A, %run_scoped3A, %dma_wait3A_20] : memref<32x2x80xi32, #tpu.memory_space<hbm>> -> memref<1x1x80xi32, #tpu.memory_space<hbm>>
      %dma_wait3A_22 = tpu.memref_squeeze %dma_wait3A_21 : memref<1x1x80xi32, #tpu.memory_space<hbm>> -> memref<80xi32, #tpu.memory_space<hbm>>
      tpu.wait_dma2 semaphore(%run_scoped3A_10 : memref<!tpu.dma_semaphore, #tpu.memory_space<semaphore_mem>>) src(%dma_wait3A_22 : memref<80xi32, #tpu.memory_space<hbm>>) dst(%arg5 : memref<80xi32, #tpu.memory_space<vmem>>)
      tpu.yield
    }) : () -> ()
    %run_scoped3A_1 = arith.constant 0 : i32
    "tpu.region"() ({
      %run_scoped3A_10 = tpu.sem_alloc : memref<!tpu.dma_semaphore, #tpu.memory_space<semaphore_mem>>
      %dma_start3A_11 = arith.constant 0 : i32
      %dma_start3A_12 = tpu.memref_slice %arg2[%add3A, %run_scoped3A_1, %dma_start3A_11] : memref<32x2x80xf32, #tpu.memory_space<hbm>> -> memref<1x1x80xf32, #tpu.memory_space<hbm>>
      %dma_start3A_13 = tpu.memref_squeeze %dma_start3A_12 : memref<1x1x80xf32, #tpu.memory_space<hbm>> -> memref<80xf32, #tpu.memory_space<hbm>>
      %dma_start3A_14 = arith.constant 0 : i32
      %dma_start3A_15 = tpu.memref_slice %arg2[%add3A, %run_scoped3A_1, %dma_start3A_14] : memref<32x2x80xf32, #tpu.memory_space<hbm>> -> memref<1x1x80xf32, #tpu.memory_space<hbm>>
      %dma_start3A_16 = tpu.memref_squeeze %dma_start3A_15 : memref<1x1x80xf32, #tpu.memory_space<hbm>> -> memref<80xf32, #tpu.memory_space<hbm>>
      tpu.enqueue_dma source(%dma_start3A_16 : memref<80xf32, #tpu.memory_space<hbm>>) target(%arg6 : memref<80xf32, #tpu.memory_space<vmem>>) target_semaphore(%run_scoped3A_10 : memref<!tpu.dma_semaphore, #tpu.memory_space<semaphore_mem>>)
      %dma_wait3A_17 = arith.constant 0 : i32
      %dma_wait3A_18 = tpu.memref_slice %arg2[%add3A, %run_scoped3A_1, %dma_wait3A_17] : memref<32x2x80xf32, #tpu.memory_space<hbm>> -> memref<1x1x80xf32, #tpu.memory_space<hbm>>
      %dma_wait3A_19 = tpu.memref_squeeze %dma_wait3A_18 : memref<1x1x80xf32, #tpu.memory_space<hbm>> -> memref<80xf32, #tpu.memory_space<hbm>>
      %dma_wait3A_20 = arith.constant 0 : i32
      %dma_wait3A_21 = tpu.memref_slice %arg2[%add3A, %run_scoped3A_1, %dma_wait3A_20] : memref<32x2x80xf32, #tpu.memory_space<hbm>> -> memref<1x1x80xf32, #tpu.memory_space<hbm>>
      %dma_wait3A_22 = tpu.memref_squeeze %dma_wait3A_21 : memref<1x1x80xf32, #tpu.memory_space<hbm>> -> memref<80xf32, #tpu.memory_space<hbm>>
      tpu.wait_dma2 semaphore(%run_scoped3A_10 : memref<!tpu.dma_semaphore, #tpu.memory_space<semaphore_mem>>) src(%dma_wait3A_22 : memref<80xf32, #tpu.memory_space<hbm>>) dst(%arg6 : memref<80xf32, #tpu.memory_space<vmem>>)
      tpu.yield
    }) : () -> ()
    %dma_start3A = arith.constant 0 : i32
    %dma_start3A_2 = tpu.memref_slice %arg4[%dma_start3A] : memref<5120xf32, #tpu.memory_space<hbm>> -> memref<5120xf32, #tpu.memory_space<hbm>>
    tpu.enqueue_indirect_dma source(%arg6 : memref<80xf32, #tpu.memory_space<vmem>>) target(%dma_start3A_2 : memref<5120xf32, #tpu.memory_space<hbm>>) offsets(%arg5 : memref<80xi32, #tpu.memory_space<vmem>>) semaphore(%arg7 : memref<!tpu.dma_semaphore, #tpu.memory_space<semaphore_mem>>)
    %dma_wait3A = arith.constant 0 : i32
    %dma_wait3A_3 = tpu.memref_slice %arg4[%dma_wait3A] : memref<5120xf32, #tpu.memory_space<hbm>> -> memref<5120xf32, #tpu.memory_space<hbm>>
    tpu.wait_indirect_dma semaphore(%arg7 : memref<!tpu.dma_semaphore, #tpu.memory_space<semaphore_mem>>) src(%arg6 : memref<80xf32, #tpu.memory_space<vmem>>) dst(%dma_wait3A_3 : memref<5120xf32, #tpu.memory_space<hbm>>)
    %run_scoped3A_4 = arith.constant 1 : i32
    "tpu.region"() ({
      %run_scoped3A_10 = tpu.sem_alloc : memref<!tpu.dma_semaphore, #tpu.memory_space<semaphore_mem>>
      %dma_start3A_11 = arith.constant 0 : i32
      %dma_start3A_12 = tpu.memref_slice %arg3[%add3A, %run_scoped3A_4, %dma_start3A_11] : memref<32x2x80xi32, #tpu.memory_space<hbm>> -> memref<1x1x80xi32, #tpu.memory_space<hbm>>
      %dma_start3A_13 = tpu.memref_squeeze %dma_start3A_12 : memref<1x1x80xi32, #tpu.memory_space<hbm>> -> memref<80xi32, #tpu.memory_space<hbm>>
      %dma_start3A_14 = arith.constant 0 : i32
      %dma_start3A_15 = tpu.memref_slice %arg3[%add3A, %run_scoped3A_4, %dma_start3A_14] : memref<32x2x80xi32, #tpu.memory_space<hbm>> -> memref<1x1x80xi32, #tpu.memory_space<hbm>>
      %dma_start3A_16 = tpu.memref_squeeze %dma_start3A_15 : memref<1x1x80xi32, #tpu.memory_space<hbm>> -> memref<80xi32, #tpu.memory_space<hbm>>
      tpu.enqueue_dma source(%dma_start3A_16 : memref<80xi32, #tpu.memory_space<hbm>>) target(%arg5 : memref<80xi32, #tpu.memory_space<vmem>>) target_semaphore(%run_scoped3A_10 : memref<!tpu.dma_semaphore, #tpu.memory_space<semaphore_mem>>)
      %dma_wait3A_17 = arith.constant 0 : i32
      %dma_wait3A_18 = tpu.memref_slice %arg3[%add3A, %run_scoped3A_4, %dma_wait3A_17] : memref<32x2x80xi32, #tpu.memory_space<hbm>> -> memref<1x1x80xi32, #tpu.memory_space<hbm>>
      %dma_wait3A_19 = tpu.memref_squeeze %dma_wait3A_18 : memref<1x1x80xi32, #tpu.memory_space<hbm>> -> memref<80xi32, #tpu.memory_space<hbm>>
      %dma_wait3A_20 = arith.constant 0 : i32
      %dma_wait3A_21 = tpu.memref_slice %arg3[%add3A, %run_scoped3A_4, %dma_wait3A_20] : memref<32x2x80xi32, #tpu.memory_space<hbm>> -> memref<1x1x80xi32, #tpu.memory_space<hbm>>
      %dma_wait3A_22 = tpu.memref_squeeze %dma_wait3A_21 : memref<1x1x80xi32, #tpu.memory_space<hbm>> -> memref<80xi32, #tpu.memory_space<hbm>>
      tpu.wait_dma2 semaphore(%run_scoped3A_10 : memref<!tpu.dma_semaphore, #tpu.memory_space<semaphore_mem>>) src(%dma_wait3A_22 : memref<80xi32, #tpu.memory_space<hbm>>) dst(%arg5 : memref<80xi32, #tpu.memory_space<vmem>>)
      tpu.yield
    }) : () -> ()
    %run_scoped3A_5 = arith.constant 1 : i32
    "tpu.region"() ({
      %run_scoped3A_10 = tpu.sem_alloc : memref<!tpu.dma_semaphore, #tpu.memory_space<semaphore_mem>>
      %dma_start3A_11 = arith.constant 0 : i32
      %dma_start3A_12 = tpu.memref_slice %arg2[%add3A, %run_scoped3A_5, %dma_start3A_11] : memref<32x2x80xf32, #tpu.memory_space<hbm>> -> memref<1x1x80xf32, #tpu.memory_space<hbm>>
      %dma_start3A_13 = tpu.memref_squeeze %dma_start3A_12 : memref<1x1x80xf32, #tpu.memory_space<hbm>> -> memref<80xf32, #tpu.memory_space<hbm>>
      %dma_start3A_14 = arith.constant 0 : i32
      %dma_start3A_15 = tpu.memref_slice %arg2[%add3A, %run_scoped3A_5, %dma_start3A_14] : memref<32x2x80xf32, #tpu.memory_space<hbm>> -> memref<1x1x80xf32, #tpu.memory_space<hbm>>
      %dma_start3A_16 = tpu.memref_squeeze %dma_start3A_15 : memref<1x1x80xf32, #tpu.memory_space<hbm>> -> memref<80xf32, #tpu.memory_space<hbm>>
      tpu.enqueue_dma source(%dma_start3A_16 : memref<80xf32, #tpu.memory_space<hbm>>) target(%arg6 : memref<80xf32, #tpu.memory_space<vmem>>) target_semaphore(%run_scoped3A_10 : memref<!tpu.dma_semaphore, #tpu.memory_space<semaphore_mem>>)
      %dma_wait3A_17 = arith.constant 0 : i32
      %dma_wait3A_18 = tpu.memref_slice %arg2[%add3A, %run_scoped3A_5, %dma_wait3A_17] : memref<32x2x80xf32, #tpu.memory_space<hbm>> -> memref<1x1x80xf32, #tpu.memory_space<hbm>>
      %dma_wait3A_19 = tpu.memref_squeeze %dma_wait3A_18 : memref<1x1x80xf32, #tpu.memory_space<hbm>> -> memref<80xf32, #tpu.memory_space<hbm>>
      %dma_wait3A_20 = arith.constant 0 : i32
      %dma_wait3A_21 = tpu.memref_slice %arg2[%add3A, %run_scoped3A_5, %dma_wait3A_20] : memref<32x2x80xf32, #tpu.memory_space<hbm>> -> memref<1x1x80xf32, #tpu.memory_space<hbm>>
      %dma_wait3A_22 = tpu.memref_squeeze %dma_wait3A_21 : memref<1x1x80xf32, #tpu.memory_space<hbm>> -> memref<80xf32, #tpu.memory_space<hbm>>
      tpu.wait_dma2 semaphore(%run_scoped3A_10 : memref<!tpu.dma_semaphore, #tpu.memory_space<semaphore_mem>>) src(%dma_wait3A_22 : memref<80xf32, #tpu.memory_space<hbm>>) dst(%arg6 : memref<80xf32, #tpu.memory_space<vmem>>)
      tpu.yield
    }) : () -> ()
    %dma_start3A_6 = arith.constant 0 : i32
    %dma_start3A_7 = tpu.memref_slice %arg4[%dma_start3A_6] : memref<5120xf32, #tpu.memory_space<hbm>> -> memref<5120xf32, #tpu.memory_space<hbm>>
    tpu.enqueue_indirect_dma source(%arg6 : memref<80xf32, #tpu.memory_space<vmem>>) target(%dma_start3A_7 : memref<5120xf32, #tpu.memory_space<hbm>>) offsets(%arg5 : memref<80xi32, #tpu.memory_space<vmem>>) semaphore(%arg7 : memref<!tpu.dma_semaphore, #tpu.memory_space<semaphore_mem>>)
    %dma_wait3A_8 = arith.constant 0 : i32
    %dma_wait3A_9 = tpu.memref_slice %arg4[%dma_wait3A_8] : memref<5120xf32, #tpu.memory_space<hbm>> -> memref<5120xf32, #tpu.memory_space<hbm>>
    tpu.wait_indirect_dma semaphore(%arg7 : memref<!tpu.dma_semaphore, #tpu.memory_space<semaphore_mem>>) src(%arg6 : memref<80xf32, #tpu.memory_space<vmem>>) dst(%dma_wait3A_9 : memref<5120xf32, #tpu.memory_space<hbm>>)
    return
  }
}

module attributes {stable_mosaic.version = 14 : i64} {
  func.func @_nms_body(%arg0: memref<8x5120xf32, #tpu.memory_space<vmem>>, %arg1: memref<5120x8xf32, #tpu.memory_space<vmem>>, %arg2: memref<1x5120xf32, #tpu.memory_space<vmem>>) attributes {dimension_semantics = [], scalar_prefetch = 0 : i64, scratch_operands = 0 : i64, tpu.core_type = #tpu.core_type<tc>} {
    %broadcast_in_dim3A = arith.constant 1.000000e+00 : f32
    %broadcast_in_dim3A_0 = vector.broadcast %broadcast_in_dim3A : f32 to vector<1x5120xf32>
    %swap3A = arith.constant 0 : index
    %swap3A_1 = arith.constant 0 : index
    %swap3A_2 = vector.load %arg2[%swap3A, %swap3A_1] : memref<1x5120xf32, #tpu.memory_space<vmem>>, vector<1x5120xf32>
    tpu.vector_store %arg2[%swap3A, %swap3A_1], %broadcast_in_dim3A_0 {strides = array<i32>} : memref<1x5120xf32, #tpu.memory_space<vmem>>, vector<1x5120xf32>,
    %scan3A = arith.constant 0 : i32
    %scan3A_3 = arith.constant 10 : i32
    %scan3A_4 = arith.addi %scan3A, %scan3A_3 : i32
    %scan3A_5 = arith.constant 1 : i32
    scf.for %scan3A_15 = %scan3A to %scan3A_4 step %scan3A_5  : i32 {
      %mul3A_16 = arith.constant 512 : i32
      %mul3A_17 = arith.muli %scan3A_15, %mul3A_16 : i32
      %get3A_18 = arith.index_cast %mul3A_17 : i32 to index
      %get3A_19 = arith.constant 0 : index
      %get3A_20 = vector.load %arg1[%get3A_18, %get3A_19] : memref<5120x8xf32, #tpu.memory_space<vmem>>, vector<512x1xf32>
      %get3A_21 = arith.index_cast %mul3A_17 : i32 to index
      %get3A_22 = arith.constant 1 : index
      %get3A_23 = vector.load %arg1[%get3A_21, %get3A_22] : memref<5120x8xf32, #tpu.memory_space<vmem>>, vector<512x1xf32>
      %get3A_24 = arith.index_cast %mul3A_17 : i32 to index
      %get3A_25 = arith.constant 2 : index
      %get3A_26 = vector.load %arg1[%get3A_24, %get3A_25] : memref<5120x8xf32, #tpu.memory_space<vmem>>, vector<512x1xf32>
      %get3A_27 = arith.index_cast %mul3A_17 : i32 to index
      %get3A_28 = arith.constant 3 : index
      %get3A_29 = vector.load %arg1[%get3A_27, %get3A_28] : memref<5120x8xf32, #tpu.memory_space<vmem>>, vector<512x1xf32>
      %get3A_30 = arith.index_cast %mul3A_17 : i32 to index
      %get3A_31 = arith.constant 4 : index
      %get3A_32 = vector.load %arg1[%get3A_30, %get3A_31] : memref<5120x8xf32, #tpu.memory_space<vmem>>, vector<512x1xf32>
      %get3A_33 = arith.constant 0 : index
      %get3A_34 = arith.index_cast %mul3A_17 : i32 to index
      %get3A_35 = vector.load %arg0[%get3A_33, %get3A_34] : memref<8x5120xf32, #tpu.memory_space<vmem>>, vector<1x512xf32>
      %get3A_36 = arith.constant 1 : index
      %get3A_37 = arith.index_cast %mul3A_17 : i32 to index
      %get3A_38 = vector.load %arg0[%get3A_36, %get3A_37] : memref<8x5120xf32, #tpu.memory_space<vmem>>, vector<1x512xf32>
      %get3A_39 = arith.constant 2 : index
      %get3A_40 = arith.index_cast %mul3A_17 : i32 to index
      %get3A_41 = vector.load %arg0[%get3A_39, %get3A_40] : memref<8x5120xf32, #tpu.memory_space<vmem>>, vector<1x512xf32>
      %get3A_42 = arith.constant 3 : index
      %get3A_43 = arith.index_cast %mul3A_17 : i32 to index
      %get3A_44 = vector.load %arg0[%get3A_42, %get3A_43] : memref<8x5120xf32, #tpu.memory_space<vmem>>, vector<1x512xf32>
      %get3A_45 = arith.constant 4 : index
      %get3A_46 = arith.index_cast %mul3A_17 : i32 to index
      %get3A_47 = vector.load %arg0[%get3A_45, %get3A_46] : memref<8x5120xf32, #tpu.memory_space<vmem>>, vector<1x512xf32>
      %max3A = vector.broadcast %get3A_20 : vector<512x1xf32> to vector<512x512xf32>
      %max3A_48 = vector.broadcast %get3A_35 : vector<1x512xf32> to vector<512x512xf32>
      %max3A_49 = arith.maximumf %max3A, %max3A_48 : vector<512x512xf32>
      %max3A_50 = vector.broadcast %get3A_23 : vector<512x1xf32> to vector<512x512xf32>
      %max3A_51 = vector.broadcast %get3A_38 : vector<1x512xf32> to vector<512x512xf32>
      %max3A_52 = arith.maximumf %max3A_50, %max3A_51 : vector<512x512xf32>
      %min3A = vector.broadcast %get3A_26 : vector<512x1xf32> to vector<512x512xf32>
      %min3A_53 = vector.broadcast %get3A_41 : vector<1x512xf32> to vector<512x512xf32>
      %min3A_54 = arith.minimumf %min3A, %min3A_53 : vector<512x512xf32>
      %min3A_55 = vector.broadcast %get3A_29 : vector<512x1xf32> to vector<512x512xf32>
      %min3A_56 = vector.broadcast %get3A_44 : vector<1x512xf32> to vector<512x512xf32>
      %min3A_57 = arith.minimumf %min3A_55, %min3A_56 : vector<512x512xf32>
      %sub3A = arith.subf %min3A_54, %max3A_49 : vector<512x512xf32>
      %max3A_58 = arith.constant 0.000000e+00 : f32
      %max3A_59 = vector.broadcast %max3A_58 : f32 to vector<512x512xf32>
      %max3A_60 = arith.maximumf %sub3A, %max3A_59 : vector<512x512xf32>
      %sub3A_61 = arith.subf %min3A_57, %max3A_52 : vector<512x512xf32>
      %max3A_62 = arith.constant 0.000000e+00 : f32
      %max3A_63 = vector.broadcast %max3A_62 : f32 to vector<512x512xf32>
      %max3A_64 = arith.maximumf %sub3A_61, %max3A_63 : vector<512x512xf32>
      %mul3A_65 = arith.mulf %max3A_60, %max3A_64 : vector<512x512xf32>
      %add3A = vector.broadcast %get3A_32 : vector<512x1xf32> to vector<512x512xf32>
      %add3A_66 = vector.broadcast %get3A_47 : vector<1x512xf32> to vector<512x512xf32>
      %add3A_67 = arith.addf %add3A, %add3A_66 : vector<512x512xf32>
      %sub3A_68 = arith.subf %add3A_67, %mul3A_65 : vector<512x512xf32>
      %add3A_69 = arith.constant 9.99999993E-9 : f32
      %add3A_70 = vector.broadcast %add3A_69 : f32 to vector<512x512xf32>
      %add3A_71 = arith.addf %sub3A_68, %add3A_70 : vector<512x512xf32>
      %div3A = arith.divf %mul3A_65, %add3A_71 : vector<512x512xf32>
      %gt3A = arith.constant 0.699999988 : f32
      %gt3A_72 = vector.broadcast %gt3A : f32 to vector<512x512xf32>
      %gt3A_73 = arith.cmpf ogt, %div3A, %gt3A_72 : vector<512x512xf32>
      %iota3A = tpu.iota {dimensions = array<i32: 0>} : vector<512x512xi32>
      %iota3A_74 = tpu.iota {dimensions = array<i32: 1>} : vector<512x512xi32>
      %lt3A = arith.cmpi slt, %iota3A, %iota3A_74 : vector<512x512xi32>
      %and3A = arith.andi %gt3A_73, %lt3A : vector<512x512xi1>
      %jit3A = arith.constant 1.000000e+00 : f32
      %jit3A_75 = arith.constant 0.000000e+00 : f32
      %broadcast_in_dim3A_76 = vector.broadcast %jit3A : f32 to vector<512x512xf32>
      %broadcast_in_dim3A_77 = vector.broadcast %jit3A_75 : f32 to vector<512x512xf32>
      %select_n3A = arith.select %and3A, %broadcast_in_dim3A_76, %broadcast_in_dim3A_77 : vector<512x512xi1>, vector<512x512xf32>
      %get3A_78 = arith.constant 0 : index
      %get3A_79 = arith.index_cast %mul3A_17 : i32 to index
      %get3A_80 = vector.load %arg2[%get3A_78, %get3A_79] : memref<1x5120xf32, #tpu.memory_space<vmem>>, vector<1x512xf32>
      %while3A = arith.constant true
      %while3A_81:2 = scf.while (%while3A_118 = %get3A_80, %while3A_119 = %while3A) : (vector<1x512xf32>, i1) -> (vector<1x512xf32>, i1) {
        scf.condition(%while3A_119) %while3A_118, %while3A_119 : vector<1x512xf32>, i1
      } do {
      ^bb0(%while3A_118: vector<1x512xf32>, %while3A_119: i1):
        %dot_general3A = arith.constant dense<0.000000e+00> : vector<1x512xf32>
        %dot_general3A_120 = tpu.matmul %while3A_118, %select_n3A, %dot_general3A {dimension_numbers = #tpu.dot_dimension_numbers<[1], [0], [0], [1], [0, 0, 1, 1], [], []>, transpose_lhs_hint = false} : vector<1x512xf32>, vector<512x512xf32>, vector<1x512xf32> -> vector<1x512xf32>
        %eq3A = arith.constant 0.000000e+00 : f32
        %eq3A_121 = vector.broadcast %eq3A : f32 to vector<1x512xf32>
        %eq3A_122 = arith.cmpf oeq, %dot_general3A_120, %eq3A_121 : vector<1x512xf32>
        %jit3A_123 = arith.constant 0.000000e+00 : f32
        %broadcast_in_dim3A_124 = vector.broadcast %jit3A_123 : f32 to vector<1x512xf32>
        %select_n3A_125 = arith.select %eq3A_122, %while3A_118, %broadcast_in_dim3A_124 : vector<1x512xi1>, vector<1x512xf32>
        %dot_general3A_126 = arith.constant dense<0.000000e+00> : vector<1x512xf32>
        %dot_general3A_127 = tpu.matmul %select_n3A_125, %select_n3A, %dot_general3A_126 {dimension_numbers = #tpu.dot_dimension_numbers<[1], [0], [0], [1], [0, 0, 1, 1], [], []>, transpose_lhs_hint = false} : vector<1x512xf32>, vector<512x512xf32>, vector<1x512xf32> -> vector<1x512xf32>
        %eq3A_128 = arith.constant 0.000000e+00 : f32
        %eq3A_129 = vector.broadcast %eq3A_128 : f32 to vector<1x512xf32>
        %eq3A_130 = arith.cmpf oeq, %dot_general3A_127, %eq3A_129 : vector<1x512xf32>
        %jit3A_131 = arith.constant 0.000000e+00 : f32
        %broadcast_in_dim3A_132 = vector.broadcast %jit3A_131 : f32 to vector<1x512xf32>
        %select_n3A_133 = arith.select %eq3A_130, %while3A_118, %broadcast_in_dim3A_132 : vector<1x512xi1>, vector<1x512xf32>
        %ne3A_134 = arith.cmpf one, %select_n3A_133, %while3A_118 : vector<1x512xf32>
        %reduce_or3A = arith.constant 1.000000e+00 : f32
        %reduce_or3A_135 = arith.constant 0.000000e+00 : f32
        %reduce_or3A_136 = vector.broadcast %reduce_or3A : f32 to vector<1x512xf32>
        %reduce_or3A_137 = vector.broadcast %reduce_or3A_135 : f32 to vector<1x512xf32>
        %reduce_or3A_138 = arith.select %ne3A_134, %reduce_or3A_136, %reduce_or3A_137 : vector<1x512xi1>, vector<1x512xf32>
        %reduce_or3A_139 = vector.shape_cast %reduce_or3A_138 : vector<1x512xf32> to vector<1x1x512xf32>
        %reduce_or3A_140 = arith.constant dense<0xFF800000> : vector<1xf32>
        %reduce_or3A_141 = vector.multi_reduction <maximumf>, %reduce_or3A_139, %reduce_or3A_140 [1, 2] : vector<1x1x512xf32> to vector<1xf32>
        %reduce_or3A_142 = vector.shape_cast %reduce_or3A_141 : vector<1xf32> to vector<1x1x1xf32>
        %reduce_or3A_143 = vector.extract %reduce_or3A_142[0, 0, 0] : f32 from vector<1x1x1xf32>
        %reduce_or3A_144 = arith.constant 0.000000e+00 : f32
        %reduce_or3A_145 = arith.cmpf ogt, %reduce_or3A_143, %reduce_or3A_144 : f32
        scf.yield %select_n3A_133, %reduce_or3A_145 : vector<1x512xf32>, i1
      }
      %swap3A_82 = arith.constant 0 : index
      %swap3A_83 = arith.index_cast %mul3A_17 : i32 to index
      %swap3A_84 = vector.load %arg2[%swap3A_82, %swap3A_83] : memref<1x5120xf32, #tpu.memory_space<vmem>>, vector<1x512xf32>
      tpu.vector_store %arg2[%swap3A_82, %swap3A_83], %while3A_81#0 {strides = array<i32>} : memref<1x5120xf32, #tpu.memory_space<vmem>>, vector<1x512xf32>,
      %add3A_85 = arith.constant 512 : i32
      %add3A_86 = arith.addi %mul3A_17, %add3A_85 : i32
      %jit3A_87 = arith.constant 1024 : i32
      %div3A_88 = arith.divsi %add3A_86, %jit3A_87 : i32
      %sign3A = arith.constant 0 : i32
      %sign3A_89 = arith.cmpi sgt, %add3A_86, %sign3A : i32
      %sign3A_90 = arith.extui %sign3A_89 : i1 to i32
      %sign3A_91 = arith.constant 0 : i32
      %sign3A_92 = arith.cmpi slt, %add3A_86, %sign3A_91 : i32
      %sign3A_93 = arith.extui %sign3A_92 : i1 to i32
      %sign3A_94 = arith.subi %sign3A_90, %sign3A_93 : i32
      %sign3A_95 = arith.constant 0 : i32
      %sign3A_96 = arith.cmpi sgt, %jit3A_87, %sign3A_95 : i32
      %sign3A_97 = arith.extui %sign3A_96 : i1 to i32
      %sign3A_98 = arith.constant 0 : i32
      %sign3A_99 = arith.cmpi slt, %jit3A_87, %sign3A_98 : i32
      %sign3A_100 = arith.extui %sign3A_99 : i1 to i32
      %sign3A_101 = arith.subi %sign3A_97, %sign3A_100 : i32
      %ne3A = arith.cmpi ne, %sign3A_94, %sign3A_101 : i32
      %rem3A = arith.remsi %add3A_86, %jit3A_87 : i32
      %ne3A_102 = arith.constant 0 : i32
      %ne3A_103 = arith.cmpi ne, %rem3A, %ne3A_102 : i32
      %and3A_104 = arith.andi %ne3A, %ne3A_103 : i1
      %sub3A_105 = arith.constant 1 : i32
      %sub3A_106 = arith.subi %div3A_88, %sub3A_105 : i32
      %select_n3A_107 = arith.select %and3A_104, %sub3A_106, %div3A_88 : i32
      %while3A_108 = arith.constant 0 : i32
      %while3A_109 = arith.constant 5 : i32
      %while3A_110 = arith.subi %while3A_109, %select_n3A_107 : i32
      %while3A_111 = arith.addi %select_n3A_107, %while3A_110 : i32
      %while3A_112 = arith.constant 1 : i32
      %while3A_113 = arith.divsi %while3A_110, %while3A_112 : i32
      %while3A_114 = arith.muli %while3A_113, %while3A_112 : i32
      %while3A_115 = arith.addi %select_n3A_107, %while3A_114 : i32
      %while3A_116 = arith.constant 1 : i32
      scf.for %while3A_118 = %select_n3A_107 to %while3A_115 step %while3A_116  : i32 {
        %mul3A_119 = arith.constant 1024 : i32
        %mul3A_120 = arith.muli %while3A_118, %mul3A_119 : i32
        %get3A_121 = arith.constant 0 : index
        %get3A_122 = arith.index_cast %mul3A_120 : i32 to index
        %get3A_123 = vector.load %arg0[%get3A_121, %get3A_122] : memref<8x5120xf32, #tpu.memory_space<vmem>>, vector<1x1024xf32>
        %get3A_124 = arith.constant 1 : index
        %get3A_125 = arith.index_cast %mul3A_120 : i32 to index
        %get3A_126 = vector.load %arg0[%get3A_124, %get3A_125] : memref<8x5120xf32, #tpu.memory_space<vmem>>, vector<1x1024xf32>
        %get3A_127 = arith.constant 2 : index
        %get3A_128 = arith.index_cast %mul3A_120 : i32 to index
        %get3A_129 = vector.load %arg0[%get3A_127, %get3A_128] : memref<8x5120xf32, #tpu.memory_space<vmem>>, vector<1x1024xf32>
        %get3A_130 = arith.constant 3 : index
        %get3A_131 = arith.index_cast %mul3A_120 : i32 to index
        %get3A_132 = vector.load %arg0[%get3A_130, %get3A_131] : memref<8x5120xf32, #tpu.memory_space<vmem>>, vector<1x1024xf32>
        %get3A_133 = arith.constant 4 : index
        %get3A_134 = arith.index_cast %mul3A_120 : i32 to index
        %get3A_135 = vector.load %arg0[%get3A_133, %get3A_134] : memref<8x5120xf32, #tpu.memory_space<vmem>>, vector<1x1024xf32>
        %max3A_136 = vector.broadcast %get3A_20 : vector<512x1xf32> to vector<512x1024xf32>
        %max3A_137 = vector.broadcast %get3A_123 : vector<1x1024xf32> to vector<512x1024xf32>
        %max3A_138 = arith.maximumf %max3A_136, %max3A_137 : vector<512x1024xf32>
        %max3A_139 = vector.broadcast %get3A_23 : vector<512x1xf32> to vector<512x1024xf32>
        %max3A_140 = vector.broadcast %get3A_126 : vector<1x1024xf32> to vector<512x1024xf32>
        %max3A_141 = arith.maximumf %max3A_139, %max3A_140 : vector<512x1024xf32>
        %min3A_142 = vector.broadcast %get3A_26 : vector<512x1xf32> to vector<512x1024xf32>
        %min3A_143 = vector.broadcast %get3A_129 : vector<1x1024xf32> to vector<512x1024xf32>
        %min3A_144 = arith.minimumf %min3A_142, %min3A_143 : vector<512x1024xf32>
        %min3A_145 = vector.broadcast %get3A_29 : vector<512x1xf32> to vector<512x1024xf32>
        %min3A_146 = vector.broadcast %get3A_132 : vector<1x1024xf32> to vector<512x1024xf32>
        %min3A_147 = arith.minimumf %min3A_145, %min3A_146 : vector<512x1024xf32>
        %sub3A_148 = arith.subf %min3A_144, %max3A_138 : vector<512x1024xf32>
        %max3A_149 = arith.constant 0.000000e+00 : f32
        %max3A_150 = vector.broadcast %max3A_149 : f32 to vector<512x1024xf32>
        %max3A_151 = arith.maximumf %sub3A_148, %max3A_150 : vector<512x1024xf32>
        %sub3A_152 = arith.subf %min3A_147, %max3A_141 : vector<512x1024xf32>
        %max3A_153 = arith.constant 0.000000e+00 : f32
        %max3A_154 = vector.broadcast %max3A_153 : f32 to vector<512x1024xf32>
        %max3A_155 = arith.maximumf %sub3A_152, %max3A_154 : vector<512x1024xf32>
        %mul3A_156 = arith.mulf %max3A_151, %max3A_155 : vector<512x1024xf32>
        %add3A_157 = vector.broadcast %get3A_32 : vector<512x1xf32> to vector<512x1024xf32>
        %add3A_158 = vector.broadcast %get3A_135 : vector<1x1024xf32> to vector<512x1024xf32>
        %add3A_159 = arith.addf %add3A_157, %add3A_158 : vector<512x1024xf32>
        %sub3A_160 = arith.subf %add3A_159, %mul3A_156 : vector<512x1024xf32>
        %add3A_161 = arith.constant 9.99999993E-9 : f32
        %add3A_162 = vector.broadcast %add3A_161 : f32 to vector<512x1024xf32>
        %add3A_163 = arith.addf %sub3A_160, %add3A_162 : vector<512x1024xf32>
        %div3A_164 = arith.divf %mul3A_156, %add3A_163 : vector<512x1024xf32>
        %gt3A_165 = arith.constant 0.699999988 : f32
        %gt3A_166 = vector.broadcast %gt3A_165 : f32 to vector<512x1024xf32>
        %gt3A_167 = arith.cmpf ogt, %div3A_164, %gt3A_166 : vector<512x1024xf32>
        %jit3A_168 = arith.constant 1.000000e+00 : f32
        %jit3A_169 = arith.constant 0.000000e+00 : f32
        %broadcast_in_dim3A_170 = vector.broadcast %jit3A_168 : f32 to vector<512x1024xf32>
        %broadcast_in_dim3A_171 = vector.broadcast %jit3A_169 : f32 to vector<512x1024xf32>
        %select_n3A_172 = arith.select %gt3A_167, %broadcast_in_dim3A_170, %broadcast_in_dim3A_171 : vector<512x1024xi1>, vector<512x1024xf32>
        %dot_general3A = arith.constant dense<0.000000e+00> : vector<1x1024xf32>
        %dot_general3A_173 = tpu.matmul %while3A_81#0, %select_n3A_172, %dot_general3A {dimension_numbers = #tpu.dot_dimension_numbers<[1], [0], [0], [1], [0, 0, 1, 1], [], []>, transpose_lhs_hint = false} : vector<1x512xf32>, vector<512x1024xf32>, vector<1x1024xf32> -> vector<1x1024xf32>
        %iota3A_174 = tpu.iota {dimensions = array<i32: 1>} : vector<1x1024xi32>
        %add3A_175 = vector.broadcast %mul3A_120 : i32 to vector<1x1024xi32>
        %add3A_176 = arith.addi %add3A_175, %iota3A_174 : vector<1x1024xi32>
        %gt3A_177 = arith.constant 0.000000e+00 : f32
        %gt3A_178 = vector.broadcast %gt3A_177 : f32 to vector<1x1024xf32>
        %gt3A_179 = arith.cmpf ogt, %dot_general3A_173, %gt3A_178 : vector<1x1024xf32>
        %add3A_180 = arith.constant 512 : i32
        %add3A_181 = arith.addi %mul3A_17, %add3A_180 : i32
        %ge3A = vector.broadcast %add3A_181 : i32 to vector<1x1024xi32>
        %ge3A_182 = arith.cmpi sge, %add3A_176, %ge3A : vector<1x1024xi32>
        %and3A_183 = arith.andi %gt3A_179, %ge3A_182 : vector<1x1024xi1>
        %get3A_184 = arith.constant 0 : index
        %get3A_185 = arith.index_cast %mul3A_120 : i32 to index
        %get3A_186 = vector.load %arg2[%get3A_184, %get3A_185] : memref<1x5120xf32, #tpu.memory_space<vmem>>, vector<1x1024xf32>
        %jit3A_187 = arith.constant 0.000000e+00 : f32
        %broadcast_in_dim3A_188 = vector.broadcast %jit3A_187 : f32 to vector<1x1024xf32>
        %select_n3A_189 = arith.select %and3A_183, %broadcast_in_dim3A_188, %get3A_186 : vector<1x1024xi1>, vector<1x1024xf32>
        %swap3A_190 = arith.constant 0 : index
        %swap3A_191 = arith.index_cast %mul3A_120 : i32 to index
        %swap3A_192 = vector.load %arg2[%swap3A_190, %swap3A_191] : memref<1x5120xf32, #tpu.memory_space<vmem>>, vector<1x1024xf32>
        tpu.vector_store %arg2[%swap3A_190, %swap3A_191], %select_n3A_189 {strides = array<i32>} : memref<1x5120xf32, #tpu.memory_space<vmem>>, vector<1x1024xf32>,
      }
      %while3A_117 = arith.constant 1 : i32
      scf.for %while3A_118 = %while3A_115 to %while3A_111 step %while3A_117  : i32 {
        %mul3A_119 = arith.constant 1024 : i32
        %mul3A_120 = arith.muli %while3A_118, %mul3A_119 : i32
        %get3A_121 = arith.constant 0 : index
        %get3A_122 = arith.index_cast %mul3A_120 : i32 to index
        %get3A_123 = vector.load %arg0[%get3A_121, %get3A_122] : memref<8x5120xf32, #tpu.memory_space<vmem>>, vector<1x1024xf32>
        %get3A_124 = arith.constant 1 : index
        %get3A_125 = arith.index_cast %mul3A_120 : i32 to index
        %get3A_126 = vector.load %arg0[%get3A_124, %get3A_125] : memref<8x5120xf32, #tpu.memory_space<vmem>>, vector<1x1024xf32>
        %get3A_127 = arith.constant 2 : index
        %get3A_128 = arith.index_cast %mul3A_120 : i32 to index
        %get3A_129 = vector.load %arg0[%get3A_127, %get3A_128] : memref<8x5120xf32, #tpu.memory_space<vmem>>, vector<1x1024xf32>
        %get3A_130 = arith.constant 3 : index
        %get3A_131 = arith.index_cast %mul3A_120 : i32 to index
        %get3A_132 = vector.load %arg0[%get3A_130, %get3A_131] : memref<8x5120xf32, #tpu.memory_space<vmem>>, vector<1x1024xf32>
        %get3A_133 = arith.constant 4 : index
        %get3A_134 = arith.index_cast %mul3A_120 : i32 to index
        %get3A_135 = vector.load %arg0[%get3A_133, %get3A_134] : memref<8x5120xf32, #tpu.memory_space<vmem>>, vector<1x1024xf32>
        %max3A_136 = vector.broadcast %get3A_20 : vector<512x1xf32> to vector<512x1024xf32>
        %max3A_137 = vector.broadcast %get3A_123 : vector<1x1024xf32> to vector<512x1024xf32>
        %max3A_138 = arith.maximumf %max3A_136, %max3A_137 : vector<512x1024xf32>
        %max3A_139 = vector.broadcast %get3A_23 : vector<512x1xf32> to vector<512x1024xf32>
        %max3A_140 = vector.broadcast %get3A_126 : vector<1x1024xf32> to vector<512x1024xf32>
        %max3A_141 = arith.maximumf %max3A_139, %max3A_140 : vector<512x1024xf32>
        %min3A_142 = vector.broadcast %get3A_26 : vector<512x1xf32> to vector<512x1024xf32>
        %min3A_143 = vector.broadcast %get3A_129 : vector<1x1024xf32> to vector<512x1024xf32>
        %min3A_144 = arith.minimumf %min3A_142, %min3A_143 : vector<512x1024xf32>
        %min3A_145 = vector.broadcast %get3A_29 : vector<512x1xf32> to vector<512x1024xf32>
        %min3A_146 = vector.broadcast %get3A_132 : vector<1x1024xf32> to vector<512x1024xf32>
        %min3A_147 = arith.minimumf %min3A_145, %min3A_146 : vector<512x1024xf32>
        %sub3A_148 = arith.subf %min3A_144, %max3A_138 : vector<512x1024xf32>
        %max3A_149 = arith.constant 0.000000e+00 : f32
        %max3A_150 = vector.broadcast %max3A_149 : f32 to vector<512x1024xf32>
        %max3A_151 = arith.maximumf %sub3A_148, %max3A_150 : vector<512x1024xf32>
        %sub3A_152 = arith.subf %min3A_147, %max3A_141 : vector<512x1024xf32>
        %max3A_153 = arith.constant 0.000000e+00 : f32
        %max3A_154 = vector.broadcast %max3A_153 : f32 to vector<512x1024xf32>
        %max3A_155 = arith.maximumf %sub3A_152, %max3A_154 : vector<512x1024xf32>
        %mul3A_156 = arith.mulf %max3A_151, %max3A_155 : vector<512x1024xf32>
        %add3A_157 = vector.broadcast %get3A_32 : vector<512x1xf32> to vector<512x1024xf32>
        %add3A_158 = vector.broadcast %get3A_135 : vector<1x1024xf32> to vector<512x1024xf32>
        %add3A_159 = arith.addf %add3A_157, %add3A_158 : vector<512x1024xf32>
        %sub3A_160 = arith.subf %add3A_159, %mul3A_156 : vector<512x1024xf32>
        %add3A_161 = arith.constant 9.99999993E-9 : f32
        %add3A_162 = vector.broadcast %add3A_161 : f32 to vector<512x1024xf32>
        %add3A_163 = arith.addf %sub3A_160, %add3A_162 : vector<512x1024xf32>
        %div3A_164 = arith.divf %mul3A_156, %add3A_163 : vector<512x1024xf32>
        %gt3A_165 = arith.constant 0.699999988 : f32
        %gt3A_166 = vector.broadcast %gt3A_165 : f32 to vector<512x1024xf32>
        %gt3A_167 = arith.cmpf ogt, %div3A_164, %gt3A_166 : vector<512x1024xf32>
        %jit3A_168 = arith.constant 1.000000e+00 : f32
        %jit3A_169 = arith.constant 0.000000e+00 : f32
        %broadcast_in_dim3A_170 = vector.broadcast %jit3A_168 : f32 to vector<512x1024xf32>
        %broadcast_in_dim3A_171 = vector.broadcast %jit3A_169 : f32 to vector<512x1024xf32>
        %select_n3A_172 = arith.select %gt3A_167, %broadcast_in_dim3A_170, %broadcast_in_dim3A_171 : vector<512x1024xi1>, vector<512x1024xf32>
        %dot_general3A = arith.constant dense<0.000000e+00> : vector<1x1024xf32>
        %dot_general3A_173 = tpu.matmul %while3A_81#0, %select_n3A_172, %dot_general3A {dimension_numbers = #tpu.dot_dimension_numbers<[1], [0], [0], [1], [0, 0, 1, 1], [], []>, transpose_lhs_hint = false} : vector<1x512xf32>, vector<512x1024xf32>, vector<1x1024xf32> -> vector<1x1024xf32>
        %iota3A_174 = tpu.iota {dimensions = array<i32: 1>} : vector<1x1024xi32>
        %add3A_175 = vector.broadcast %mul3A_120 : i32 to vector<1x1024xi32>
        %add3A_176 = arith.addi %add3A_175, %iota3A_174 : vector<1x1024xi32>
        %gt3A_177 = arith.constant 0.000000e+00 : f32
        %gt3A_178 = vector.broadcast %gt3A_177 : f32 to vector<1x1024xf32>
        %gt3A_179 = arith.cmpf ogt, %dot_general3A_173, %gt3A_178 : vector<1x1024xf32>
        %add3A_180 = arith.constant 512 : i32
        %add3A_181 = arith.addi %mul3A_17, %add3A_180 : i32
        %ge3A = vector.broadcast %add3A_181 : i32 to vector<1x1024xi32>
        %ge3A_182 = arith.cmpi sge, %add3A_176, %ge3A : vector<1x1024xi32>
        %and3A_183 = arith.andi %gt3A_179, %ge3A_182 : vector<1x1024xi1>
        %get3A_184 = arith.constant 0 : index
        %get3A_185 = arith.index_cast %mul3A_120 : i32 to index
        %get3A_186 = vector.load %arg2[%get3A_184, %get3A_185] : memref<1x5120xf32, #tpu.memory_space<vmem>>, vector<1x1024xf32>
        %jit3A_187 = arith.constant 0.000000e+00 : f32
        %broadcast_in_dim3A_188 = vector.broadcast %jit3A_187 : f32 to vector<1x1024xf32>
        %select_n3A_189 = arith.select %and3A_183, %broadcast_in_dim3A_188, %get3A_186 : vector<1x1024xi1>, vector<1x1024xf32>
        %swap3A_190 = arith.constant 0 : index
        %swap3A_191 = arith.index_cast %mul3A_120 : i32 to index
        %swap3A_192 = vector.load %arg2[%swap3A_190, %swap3A_191] : memref<1x5120xf32, #tpu.memory_space<vmem>>, vector<1x1024xf32>
        tpu.vector_store %arg2[%swap3A_190, %swap3A_191], %select_n3A_189 {strides = array<i32>} : memref<1x5120xf32, #tpu.memory_space<vmem>>, vector<1x1024xf32>,
      }
    }
    %scan3A_6 = arith.constant 10 : i32
    %get3A = arith.constant 0 : index
    %get3A_7 = arith.constant 0 : index
    %get3A_8 = vector.load %arg2[%get3A, %get3A_7] : memref<1x5120xf32, #tpu.memory_space<vmem>>, vector<1x5120xf32>
    %get3A_9 = arith.constant 5 : index
    %get3A_10 = arith.constant 0 : index
    %get3A_11 = vector.load %arg0[%get3A_9, %get3A_10] : memref<8x5120xf32, #tpu.memory_space<vmem>>, vector<1x5120xf32>
    %mul3A = arith.mulf %get3A_8, %get3A_11 : vector<1x5120xf32>
    %swap3A_12 = arith.constant 0 : index
    %swap3A_13 = arith.constant 0 : index
    %swap3A_14 = vector.load %arg2[%swap3A_12, %swap3A_13] : memref<1x5120xf32, #tpu.memory_space<vmem>>, vector<1x5120xf32>
    tpu.vector_store %arg2[%swap3A_12, %swap3A_13], %mul3A {strides = array<i32>} : memref<1x5120xf32, #tpu.memory_space<vmem>>, vector<1x5120xf32>,
    return
  }
}

</mosaic_0001>

<sc_bundles>
// kernel: kernel.4.cloned.1.call-start
scs
__scs_entry_jumppad:
0x0: {  	(pc) =	sbr.rel $0x88, $3  }
0x1: {  	(tag) =	ssettag $0x0;
	lr =	simm.s32 $0x1  }
0x2: {  	[smem:$0x3F9F] =	sst lr;
	_ =	strace $0xD0000000  }
0x3: {  	_ = 	snop  }
0x4: {  	_ = 	snop  }
0x5: {  	_ = 	snop  }
0x6: {  	_ = 	snop  }
0x7: {  	_ = 	snop  }
__scs_overlays_trampoline_lowered:
0x8: {  	[smem:$0x3FAE] =	sst s0  }
0x9: {  	[smem:$0x3FAF] =	sst s1  }
0xa: {  	[smem:$0x3FB0] =	sst s2  }
0xb: {  	[smem:$0x3FB1] =	sst s3  }
0xc: {  	[smem:$0x3FB2] =	sst s4  }
0xd: {  	[smem:$0x3FB3] =	sst s5  }
0xe: {  	[smem:$0x3FB4] =	sst s6  }
0xf: {  	[smem:$0x3FB5] =	sst s7  }
0x10: {  	[smem:$0x3FB6] =	sst s8  }
0x11: {  	[smem:$0x3FB7] =	sst s9;
	s0 =	simm.s32 @!p0 $0x0  }
0x12: {  	s1 =	sld [smem:$0x3F9D];
	s0 =	simm.s32 @p0 $0x1  }
0x13: {  	[smem:$0x3FB8] =	sst s0;
	s0 =	simm.s32 @!p1 $0x0  }
0x14: {  	s2 =	sld [smem:$0x3F9C];
	s0 =	simm.s32 @p1 $0x1  }
0x15: {  	[smem:$0x3FB9] =	sst s0;
	s0 =	simm.s32 @!p2 $0x0  }
0x16: {  	s3 =	sld [smem:$0x3FDB];
	s0 =	simm.s32 @p2 $0x1  }
0x17: {  	s4 =	simm.s32 $0x1BF5;
	[smem:$0x3FBB] =	sst s0  }
0x18: {  	s0 =	sld [smem:$0x3F9E];
	_ =	swait.ge [sflag:s4], $0x0  }
0x19: {  	s7 =	sld [smem:$0x3F9F]  }
0x1a: {  	s8 =	sadd.s32 $0xFFFFE003, lr  }
0x1b: {  	s9 =	sadd.s32 $0xFFFFFEF7, lr;
	s5 =	simm.s32 $0xFFFFFFFF;
	p2 =	slt.u32 s8, $0xFFFFF086  }
0x1c: {  	p1 =	slt.u32 s9, $0xF7A;
	s5 =	simm.s32 @!p2 $0x0  }
0x1d: {  	s5 =	simm.s32 @p1 $0x1;
	p0 =	seq.s32 s7, s2  }
0x1e: {  	s7 =	smul.u32 @!p0 $0xF7A, s2;
	p2 =	seq.s32 @!p0 s5, $0x0  }
0x1f: {  	s9 =	smul.u32 $0xF7A, s1;
	s8 =	simm.s32 @!p0 $0x1BF5;
	p2 =	por !p2, p0  }
0x20: {  	[sflag:s8] =	ssyncset.s32 @!p0 $0xFFFFF086;
	s6 =	sadd.s32 @!p0 s3, s7;
	s7 =	simm.s32 @!p0 $0x108  }
0x21: {  	s3 =	sadd.s32 s3, s9;
	s6 =	sadd.s32 @!p0 $0x88, s6;
	s7 =	simm.s32 @p2 $0x1082  }
0x22: {  	[simem:s7], [sflag:s8] =	dma.local @!p0 [hbm:s6], $0xF7A  }
0x23: {  	s9 =	sor.u32 $0xD0000000, s2;
	s6 =	simm.s32 $0x108;
	_ =	swait.ge @!p0 [sflag:s8], $0x0  }
0x24: {  	s3 =	sadd.s32 $0x88, s3;
	s6 =	simm.s32 @!p1 $0x1082;
	[sflag:s4] =	ssyncset.s32 $0xFFFFF086  }
0x25: {  	[simem:s6], [sflag:s4] =	dma.local [hbm:s3], $0xF7A  }
0x26: {  	[smem:$0x3F9F] =	sst s1;
	(tag) =	ssettag s2;
	_ =	strace s9  }
0x27: {  	s1 =	sld [smem:$0x3FAF]  }
0x28: {  	s2 =	sld [smem:$0x3FB0]  }
0x29: {  	s4 =	sld [smem:$0x3FB2]  }
0x2a: {  	p0 =	seq.s32 s5, $0x0;
	s5 =	sld [smem:$0x3FB3]  }
0x2b: {  	s6 =	sld [smem:$0x3FB4]  }
0x2c: {  	s7 =	sld [smem:$0x3FB5]  }
0x2d: {  	s3 =	simm.s32 $0x108;
	s8 =	sld [smem:$0x3FB6]  }
0x2e: {  	s3 =	simm.s32 @!p0 $0x1082;
	s9 =	sld [smem:$0x3FB7]  }
0x2f: {  	lr =	sadd.s32 s0, s3;
	s0 =	sld [smem:$0x3FAE]  }
0x30: {  	s3 =	sld [smem:$0x3FB1]  }
0x31: {  	[smem:$0x3FBA] =	sst s10  }
0x32: {  	s10 =	sld [smem:$0x3FB8];
	_ =	sdelay $0x3  }
0x33: {  	p0 =	seq.s32 s10, $0x1;
	s10 =	sld [smem:$0x3FBA];
	_ =	sdelay $0x3  }
0x34: {  	[smem:$0x3FBA] =	sst s10  }
0x35: {  	s10 =	sld [smem:$0x3FB9];
	_ =	sdelay $0x3  }
0x36: {  	p1 =	seq.s32 s10, $0x1;
	s10 =	sld [smem:$0x3FBA];
	_ =	sdelay $0x3  }
0x37: {  	[smem:$0x3FBA] =	sst s10  }
0x38: {  	s10 =	sld [smem:$0x3FBB]  }
0x39: {  	_ = 	snop;
	(pc) =	sbr.ind lr, $3  }
0x3a: {  	_ = 	snop  }
0x3b: {  	_ = 	snop  }
0x3c: {  	p2 =	seq.s32 s10, $0x1;
	s10 =	sld [smem:$0x3FBA]  }
0x3d: {  	_ =	shalt  }
0x3e: {  	_ =	shalt  }
0x3f: {  	_ =	shalt  }
0x40: {  	_ =	shalt  }
0x41: {  	_ =	shalt  }
0x42: {  	_ =	shalt  }
0x43: {  	_ =	shalt  }
0x44: {  	_ =	shalt  }
0x45: {  	_ =	shalt  }
0x46: {  	_ =	shalt  }
0x47: {  	_ =	shalt  }
0x48: {  	_ =	shalt  }
0x49: {  	_ =	shalt  }
0x4a: {  	_ =	shalt  }
0x4b: {  	_ =	shalt  }
0x4c: {  	_ =	shalt  }
0x4d: {  	_ =	shalt  }
0x4e: {  	_ =	shalt  }
0x4f: {  	_ =	shalt  }
0x50: {  	_ =	shalt  }
0x51: {  	_ =	shalt  }
0x52: {  	_ =	shalt  }
0x53: {  	_ =	shalt  }
0x54: {  	_ =	shalt  }
0x55: {  	_ =	shalt  }
0x56: {  	_ =	shalt  }
0x57: {  	_ =	shalt  }
0x58: {  	_ =	shalt  }
0x59: {  	_ =	shalt  }
0x5a: {  	_ =	shalt  }
0x5b: {  	_ =	shalt  }
0x5c: {  	_ =	shalt  }
0x5d: {  	_ =	shalt  }
0x5e: {  	_ =	shalt  }
0x5f: {  	_ =	shalt  }
0x60: {  	_ =	shalt  }
0x61: {  	_ =	shalt  }
0x62: {  	_ =	shalt  }
0x63: {  	_ =	shalt  }
0x64: {  	_ =	shalt  }
0x65: {  	_ =	shalt  }
0x66: {  	_ =	shalt  }
0x67: {  	_ =	shalt  }
0x68: {  	_ =	shalt  }
0x69: {  	_ =	shalt  }
0x6a: {  	_ =	shalt  }
0x6b: {  	_ =	shalt  }
0x6c: {  	_ =	shalt  }
0x6d: {  	_ =	shalt  }
0x6e: {  	_ =	shalt  }
0x6f: {  	_ =	shalt  }
0x70: {  	_ =	shalt  }
0x71: {  	_ =	shalt  }
0x72: {  	_ =	shalt  }
0x73: {  	_ =	shalt  }
0x74: {  	_ =	shalt  }
0x75: {  	_ =	shalt  }
0x76: {  	_ =	shalt  }
0x77: {  	_ =	shalt  }
0x78: {  	_ =	shalt  }
0x79: {  	_ =	shalt  }
0x7a: {  	_ =	shalt  }
0x7b: {  	_ =	shalt  }
0x7c: {  	_ =	shalt  }
0x7d: {  	_ =	shalt  }
0x7e: {  	_ =	shalt  }
0x7f: {  	_ =	shalt  }
0x80: {  	_ =	shalt  }
0x81: {  	_ =	shalt  }
0x82: {  	_ =	shalt  }
0x83: {  	_ =	shalt  }
0x84: {  	_ =	shalt  }
0x85: {  	_ =	shalt  }
0x86: {  	_ =	shalt  }
0x87: {  	_ =	shalt  }
.Lfunc_end0:
.L_simem_size_0:
called_computation_lowered:
.L_overlay_start_0:
0x88: {  	s2 =	sld [smem:$0x3FD9]  }
0x89: {  	s3 =	sld [smem:$0x3FFE];
	_ =	sdelay $0x1  }
0x8a: {  	s1 =	srdreg.scid  }
0x8b: {  	s0 =	sand.u32 $0x1, s1  }
0x8c: {  	s17 =	sshll.u32 s0, $0xA;
	s2 =	sadd.s32 s3, s2  }
0x8d: {  	s2 =	sadd.s32 s2, s17  }
0x8e: {  	[smem:$0x3FC6] =	sst s2  }
0x8f: {  	_ = 	snop  }
0x90: {  	s2 =	sld [smem:$0x3FD0];
	(tm) =	ssettm $0x1  }
0x91: {  	s18 =	sld [smem:$0x3FFB];
	_ =	sdelay $0x3  }
0x92: {  	_ =	strace s18  }
0x93: {  	s3 =	sld [smem:$0x3FFC];
	_ =	sdelay $0x3  }
0x94: {  	_ =	strace s3  }
0x95: {  	s3 =	sld [smem:$0x3FFD];
	_ =	sdelay $0x3  }
0x96: {  	_ =	strace s3  }
0x97: {  	_ =	strace $0x8FFFFFFF  }
0x98: {  	s19 =	sld [smem:$0x3FDB];
	_ =	sdelay $0x1  }
0x99: {  	s4 =	simm.s32 $_scs_section_size  }
0x9a: {  	s5 =	simm.s32 $_size__tile_overlayer_lowered;
	s6 =	simm.s32 $_tile_overlayer_lowered  }
0x9b: {  	s22 =	simm.s32 $0x1BFF;
	s21 =	sshll.u32 s6, $0x1;
	s3 =	sadd.s32 s4, s19  }
0x9c: {  	s7 =	simm.s32 $0x0;
	s20 =	sshll.u32 s5, $0x1;
	s5 =	sadd.s32 s21, s3  }
0x9d: {  	[timem:s7], [sflag:s22] =	dma.local [hbm:s5], s20  }
0x9e: {  	_ =	swait.ge [sflag:s22], s20  }
0x9f: {  	s4 =	ssub.s32 $0x0, s20;
	[sflag:s22] =	ssyncset.done $0x0  }
0xa0: {  	[sflag:s22] =	ssyncadd.s32 s4;
	_ =	sdelay $0x1  }
0xa1: {  	s23 =	simm.s32 $0x1B8B  }
0xa2: {  	_ =	swait.ge [sflag:s23], $0x1  }
0xa3: {  	[sflag:s23] =	ssyncset.done $0x0  }
0xa4: {  	s25 =	simm.s32 $0x1B8E;
	s24 =	sld [smem:$0x3FFE];
	[sflag:s23] =	ssyncadd.s32 $0xFFFFFFFF  }
0xa5: {  	s26 =	simm.s32 $execute0_lowered;
	[smem:$0x3FD2] =	sst s25  }
0xa6: {  	s5 =	sshll.u32 s26, $0x1;
	_ =	strace $0x80000046;
	[dreg:$0x1] =	wrdreg $0xFFFFFFFF  }
0xa7: {  	s28 =	simm.s32 $_size_execute0_lowered;
	s3 =	sadd.s32 s3, s5;
	[dreg:$0x0] =	wrdreg $0x0  }
0xa8: {  	s5 =	sshll.u32 s28, $0x1;
	[dreg:$0x2] =	wrdreg s3  }
0xa9: {  	[dreg:$0x3] =	wrdreg s5  }
0xaa: {  	[dreg:$0x4] =	wrdreg $0xC0  }
0xab: {  	_ =	task [dreg:s7], $0x5FFFF  }
0xac: {  	[dreg:$0x1] =	wrdreg $0xFFFFFFFF  }
0xad: {  	[dreg:$0x0] =	wrdreg $0x60  }
0xae: {  	[dreg:$0x2] =	wrdreg s24  }
0xaf: {  	[dreg:$0x3] =	wrdreg s2  }
0xb0: {  	[dreg:$0x4] =	wrdreg $0x9  }
0xb1: {  	_ =	task.clear_ibuf [dreg:s7], $0x5FFFF;
	_ =	strace $0x90000046  }
0xb2: {  	s29 =	simm.s32 $0x9;
	_ =	strace $0x80000048  }
0xb3: {  	_ =	swait.ge [sflag:s29], $0x1  }
0xb4: {  	[sflag:s29] =	ssyncadd.s32 $0xFFFFFFFF  }
0xb5: {  	_ =	strace $0x90000048  }
0xb6: {  	_ =	sfence  }
0xb7: {  	s30 =	sld [smem:$0x0];
	_ =	sdelay $0x2  }
0xb8: {  	s31 =	sshll.u32 s1, $0xD;
	s1 =	sshrl.u32 s1, $0x2  }
0xb9: {  	s3 =	sand.u32 $0x4000, s31;
	s1 =	sadd.s32 s1, s30  }
0xba: {  	s0 =	sor.u32 s3, s0;
	s1 =	sshll.u32 s1, $0x11  }
0xbb: {  	s0 =	sor.u32 s1, s0  }
0xbc: {  	s0 =	sadd.s32 $0x8F2B, s0  }
0xbd: {  	[sflag:s0] =	ssyncadd.remote.s32 $0x1  }
0xbe: {  	_ =	sfence.sel $0xFFFF  }
0xbf: {  	[dreg:$0x0] =	wrdreg $0xFFFFFFFF;
	(pc) =	sbr.abs _section_cstart, $3  }
0xc0: {  	[dreg:$0x1] =	wrdreg $0xFFFFFFFF  }
0xc1: {  	_ =	task.clear_ibuf [dreg:s7], $0x2FFFF;
	_ =	strace $0x9FFFFFFF  }
0xc2: {  	(tm) =	ssettm $0x7FFFFFFF  }
0xc3: {  	_ =	shalt  }
tec
execute0_lowered:
.L_overlay_start_1:
0x0: {  	(tag) =	ssettag $0x1  }
0x1: {  	s11 =	rddreg [dreg:$0x0]  }
0x2: {  	s2 =	rddreg [dreg:$0x1];
	s3 =	srdreg.scid  }
0x3: {  	s0 =	rddreg [dreg:$0x2];
	s1 =	stileid.u32;
	s12 =	sand.u32 $0x1, s3  }
0x4: {  	s3 =	simm.s32 $0x0;
	s4 =	sshll.u32 s1, $0x6;
	s5 =	sshll.u32 s12, $0x5  }
0x5: {  	s10 =	sadd.s32 $0x400, s11;
	[smem:$0x7FF] =	sst s3;
	s13 =	sor.u32 s5, s4  }
0x6: {  	_ =	strace $0x80000047;
	s5 =	simm.s32 $0x2;
	s4 =	sadd.s32 s10, s13  }
0x7: {  	[tilespmem:s3], [sflag:$0x2] =	stream.linear.gather [hbm4b:s4+s3], $0x80, $0x38;
	[tilespmem:$0x100] =	vst v63  }
0x8: {  	_ =	swait.ge [sflag:s5], $0x80  }
0x9: {  	[sflag:s5] =	ssyncset.done $0x0  }
0xa: {  	s7 =	simm.s32 $0x80;
	s6 =	sadd.s32 s11, s13;
	[sflag:s5] =	ssyncadd.s32 $0xFFFFFF80  }
0xb: {  	[tilespmem:s7], [sflag:$0x2] =	stream.linear.gather [hbm4b:s6+s3], $0x80, $0x38;
	[tilespmem:$0x100] =	vst v63  }
0xc: {  	_ =	swait.ge [sflag:s5], $0x80  }
0xd: {  	[sflag:s5] =	ssyncset.done $0x0  }
0xe: {  	s9 =	simm.s32 $0x50;
	s8 =	simm.s32 $0x1;
	[sflag:s5] =	ssyncadd.s32 $0xFFFFFF80  }
0xf: {  	[hbm4b:s2+s9] =	stream.indirect.scatter [tilespmem:s7], [sflag:$0x1], $0x1, s3, s9, $0xb8;
	[tilespmem:$0x100] =	vst v63  }
0x10: {  	_ =	swait.ge [sflag:s8], $0x50  }
0x11: {  	s13 =	sor.u32 $0x10, s13;
	[sflag:s8] =	ssyncset.done $0x0  }
0x12: {  	s12 =	ssub.s32 $0x2, s12;
	s10 =	sadd.s32 s10, s13;
	[sflag:s8] =	ssyncadd.s32 $0xFFFFFFB0  }
0x13: {  	[tilespmem:s3], [sflag:$0x2] =	stream.linear.gather [hbm4b:s10+s3], $0x80, $0x38;
	[tilespmem:$0x100] =	vst v63  }
0x14: {  	s31 =	sshrl.u32 s12, $0x1;
	_ =	swait.ge [sflag:s5], $0x80  }
0x15: {  	s12 =	ssub.s32 s12, s31;
	[sflag:s5] =	ssyncset.done $0x0  }
0x16: {  	s11 =	sadd.s32 s11, s13;
	s12 =	smax.u32 s12, $0x1;
	[sflag:s5] =	ssyncadd.s32 $0xFFFFFF80  }
0x17: {  	[tilespmem:s7], [sflag:$0x2] =	stream.linear.gather [hbm4b:s11+s3], $0x80, $0x38;
	[tilespmem:$0x100] =	vst v63  }
0x18: {  	p0 =	sne.s32 s12, $0x1;
	_ =	swait.ge [sflag:s5], $0x80  }
.Ltmp0:
0x19: {  	[sflag:s5] =	ssyncset.done $0x0;
	(pc) =	sbr.rel @!p0 .LBB2_2-.Ltmp0, $4  }
0x1a: {  	[sflag:s5] =	ssyncadd.s32 $0xFFFFFF80  }
0x1b: {  	[hbm4b:s2+s9] =	stream.indirect.scatter [tilespmem:s7], [sflag:$0x1], $0x1, s3, s9, $0xb8;
	[tilespmem:$0x100] =	vst v63  }
0x1c: {  	_ =	swait.ge [sflag:s8], $0x50  }
0x1d: {  	s12 =	sadd.s32 $0xFFFFFFFF, s12;
	[sflag:s8] =	ssyncset.done $0x0  }
.LBB2_1:
0x1e: {  	p0 =	sne.s32 s12, $0x1;
	s12 =	sadd.s32 $0xFFFFFFFF, s12;
	[sflag:s8] =	ssyncadd.s32 $0xFFFFFFB0  }
0x1f: {  	[tilespmem:s3], [sflag:$0x2] =	stream.linear.gather [hbm4b:s4+s3], $0x80, $0x38;
	[tilespmem:$0x100] =	vst v63  }
0x20: {  	_ =	swait.ge [sflag:s5], $0x80  }
0x21: {  	[sflag:s5] =	ssyncset.done $0x0  }
0x22: {  	[sflag:s5] =	ssyncadd.s32 $0xFFFFFF80  }
0x23: {  	[tilespmem:s7], [sflag:$0x2] =	stream.linear.gather [hbm4b:s6+s3], $0x80, $0x38;
	[tilespmem:$0x100] =	vst v63  }
0x24: {  	_ =	swait.ge [sflag:s5], $0x80  }
0x25: {  	[sflag:s5] =	ssyncset.done $0x0  }
0x26: {  	[sflag:s5] =	ssyncadd.s32 $0xFFFFFF80  }
0x27: {  	[hbm4b:s2+s9] =	stream.indirect.scatter [tilespmem:s7], [sflag:$0x1], $0x1, s3, s9, $0xb8;
	[tilespmem:$0x100] =	vst v63  }
0x28: {  	_ =	swait.ge [sflag:s8], $0x50  }
0x29: {  	[sflag:s8] =	ssyncset.done $0x0  }
0x2a: {  	[sflag:s8] =	ssyncadd.s32 $0xFFFFFFB0  }
0x2b: {  	[tilespmem:s3], [sflag:$0x2] =	stream.linear.gather [hbm4b:s10+s3], $0x80, $0x38;
	[tilespmem:$0x100] =	vst v63  }
0x2c: {  	_ =	swait.ge [sflag:s5], $0x80  }
0x2d: {  	[sflag:s5] =	ssyncset.done $0x0  }
0x2e: {  	[sflag:s5] =	ssyncadd.s32 $0xFFFFFF80  }
0x2f: {  	[tilespmem:s7], [sflag:$0x2] =	stream.linear.gather [hbm4b:s11+s3], $0x80, $0x38;
	[tilespmem:$0x100] =	vst v63  }
0x30: {  	_ =	swait.ge [sflag:s5], $0x80  }
.Ltmp1:
0x31: {  	[sflag:s5] =	ssyncset.done $0x0;
	(pc) =	sbr.rel @p0 .LBB2_1-.Ltmp1, $4  }
0x32: {  	[sflag:s5] =	ssyncadd.s32 $0xFFFFFF80  }
0x33: {  	[hbm4b:s2+s9] =	stream.indirect.scatter [tilespmem:s7], [sflag:$0x1], $0x1, s3, s9, $0xb8;
	[tilespmem:$0x100] =	vst v63  }
0x34: {  	_ =	swait.ge [sflag:s8], $0x50  }
0x35: {  	[sflag:s8] =	ssyncset.done $0x0  }
.LBB2_2:
0x36: {  	[sflag:s8] =	ssyncadd.s32 $0xFFFFFFB0  }
0x37: {  	_ =	sfence.sel $0x180000  }
0x38: {  	[bflag:$0x0] =	sbarrier.arrive $0xFFFF  }
0x39: {  	p0 =	sne.s32 s1, $0x0;
	_ =	strace $0x90000047  }
0x3a: {  	s0 =	sadd.s32 @!p0 $0x100000, s0;
	[bflag:$0x2] =	sbarrier.arrive $0xFFFF  }
0x3b: {  	[sflag:s0] =	ssyncadd.tile.s32 @!p0 $0x1;
	_ =	shalt  }
.Lfunc_end2:
_tile_overlayer_lowered:
.L_overlay_start_2:
0x3c: {  	(tag) =	ssettag $0x2  }
0x3d: {  	s0 =	rddreg [dreg:$0x0];
	s2 =	stileid.u32  }
0x3e: {  	s1 =	rddreg [dreg:$0x1];
	p0 =	sne.s32 s2, $0x0  }
0x3f: {  	s3 =	rddreg [dreg:$0x2];
	[bflag:$0x3] =	sbarrier.arrive $0xFFFF;
	s2 =	simm.s32 @!p0 $0x1C02  }
0x40: {  	[timem:s3], [sflag:s2] =	dma.local @!p0 [hbm:s0], s1  }
0x41: {  	s0 =	simm.s32 @!p0 $0x2  }
0x42: {  	_ =	swait.ge @!p0 [sflag:s0], s1  }
0x43: {  	s1 =	ssub.s32 @!p0 $0x0, s1;
	[sflag:s0] =	ssyncset.done @!p0 $0x0  }
0x44: {  	[sflag:s0] =	ssyncadd.s32 @!p0 s1  }
0x45: {  	[bflag:$0x3] =	sbarrier.arrive $0xFFFF  }
0x46: {  	_ =	shalt  }

</sc_bundles>
